<compile_context>
chip_gen: v7x
topology: tpu7x:2x2x1
jax: 0.10.2.dev20260603
libtpu: 0.0.44.dev20260713+nightly
codegen_flags: <defaults>
</compile_context>

<pallas_src>
import functools

import jax
import jax.numpy as jnp
from jax import lax
from jax.experimental import pallas as pl
from jax.experimental.pallas import tpu as pltpu
from jax.experimental.pallas import tpu_sc as plsc

VOCAB = 64
EMBED = 128
DEPTH = 6
BATCH = 16384

_NUM_WORKERS = 32
_CHUNK = BATCH // _NUM_WORKERS
_LANES = 16
_STEPS = _CHUNK // _LANES
_PAIRS = VOCAB * VOCAB


def _hist_body(center_hbm, target_hbm, out_hbm, hist_v, c_v, t_v, sem):
    wid = lax.axis_index("s") * 2 + lax.axis_index("c")
    base = wid * _CHUNK
    cp_c = pltpu.async_copy(center_hbm.at[pl.ds(base, _CHUNK)], c_v, sem)
    cp_t = pltpu.async_copy(target_hbm.at[pl.ds(base, _CHUNK)], t_v, sem)

    zeros = jnp.zeros((_LANES,), jnp.float32)

    def zero_row(r, carry):
        for j in range(VOCAB // _LANES):
            hist_v[r, pl.ds(j * _LANES, _LANES)] = zeros
        return carry

    lax.fori_loop(0, VOCAB, zero_row, 0)
    cp_c.wait()
    cp_t.wait()

    ones = jnp.ones((_LANES,), jnp.float32)

    def step(i, carry):
        c = c_v[pl.ds(i * _LANES, _LANES)]
        t = t_v[pl.ds(i * _LANES, _LANES)]
        plsc.addupdate_scatter(hist_v, [t, c], ones)
        return carry

    lax.fori_loop(0, _STEPS, step, 0)

    pltpu.sync_copy(hist_v, out_hbm.at[wid])


@functools.lru_cache(maxsize=None)
def _hist_kernel():
    return pl.kernel(
        _hist_body,
        out_type=jax.ShapeDtypeStruct((_NUM_WORKERS, VOCAB, VOCAB),
                                      jnp.float32),
        mesh=plsc.VectorSubcoreMesh(core_axis_name="c", subcore_axis_name="s"),
        compiler_params=pltpu.CompilerParams(needs_layout_passes=False),
        scratch_types=[
            pltpu.VMEM((VOCAB, VOCAB), jnp.float32),
            pltpu.VMEM((_CHUNK,), jnp.int32),
            pltpu.VMEM((_CHUNK,), jnp.int32),
            pltpu.SemaphoreType.DMA,
        ],
    )


def _table_body(e_ref, w_ref, paths_ref, codes_ref, masks_ref, o_ref):
    scores = lax.dot_general(
        e_ref[...], w_ref[...], (((1,), (1,)), ((), ())),
        preferred_element_type=jnp.float32,
    )
    node_iota = lax.broadcasted_iota(jnp.int32, (VOCAB, VOCAB - 1), 1)
    onehot = jnp.concatenate(
        [(paths_ref[:, l : l + 1] == node_iota).astype(jnp.float32)
         for l in range(DEPTH)], axis=0)
    g = lax.dot_general(
        onehot, scores, (((1,), (1,)), ((), ())),
        preferred_element_type=jnp.float32,
    )
    code_col = jnp.concatenate(
        [codes_ref[:, l : l + 1] for l in range(DEPTH)], axis=0)
    mask_col = jnp.concatenate(
        [masks_ref[:, l : l + 1] for l in range(DEPTH)], axis=0)
    x = code_col * g
    ls = jnp.minimum(x, 0.0) - jnp.log(1.0 + jnp.exp(-jnp.abs(x)))
    wl = ls * mask_col
    table = (wl[0:64] + wl[64:128] + wl[128:192] + wl[192:256]
             + wl[256:320] + wl[320:384])
    o_ref[...] = table * (-1.0 / BATCH)


def _combine_body(cnt_ref, table_ref, o_ref):
    counts = jnp.sum(cnt_ref[...], axis=0)
    o_ref[0, 0] = jnp.sum(counts * table_ref[...])


def kernel(center, target, in_embeddings, inner_vectors, paths, codes, masks):
    center = center.astype(jnp.int32) if center.dtype != jnp.int32 else center
    target = target.astype(jnp.int32) if target.dtype != jnp.int32 else target
    hist = _hist_kernel()(center, target)

    table = pl.pallas_call(
        _table_body,
        out_shape=jax.ShapeDtypeStruct((VOCAB, VOCAB), jnp.float32),
    )(in_embeddings, inner_vectors,
      paths.astype(jnp.int32) if paths.dtype != jnp.int32 else paths,
      codes, masks)

    total = pl.pallas_call(
        _combine_body,
        out_shape=jax.ShapeDtypeStruct((1, 1), jnp.float32),
        out_specs=pl.BlockSpec(memory_space=pltpu.SMEM),
    )(hist, table)
    return total[0, 0]

# --- scband reference (transcript-rebuilt; emitter-appended) ---
"""Pipeline reference for scband-skip-gram-hierarchical-softmax-64166811402274 (READ-ONLY COPY).

The authoritative reference and input builder live on the scoring server;
editing this copy changes nothing except your own understanding.
"""

import jax, jax.numpy as jnp
import numpy as np

VOCAB = 64
EMBED = 128
DEPTH = 6
BATCH = 16384


def _build_tree():
    # Complete binary tree over VOCAB leaves; heap index h = VOCAB + i for leaf i.
    # Internal node ids are 0-indexed (root = 0), matching the huffman_paths/huffman_codes
    # literals passed to the torch module's __init__.
    paths = np.zeros((VOCAB, DEPTH), dtype=np.int64)
    codes = np.zeros((VOCAB, DEPTH), dtype=np.float32)
    for i in range(VOCAB):
        h = VOCAB + i
        for l in range(DEPTH):
            paths[i, l] = (h >> (DEPTH - l)) - 1
            bit = (h >> (DEPTH - 1 - l)) & 1
            codes[i, l] = 1.0 - 2.0 * bit
    masks = np.ones((VOCAB, DEPTH), dtype=np.float32)  # all paths are full depth
    return paths, codes, masks


def setup_inputs(seed: int = 0):
    key = jax.random.key(seed)
    k1, k2, k3, k4 = jax.random.split(key, 4)
    center = jax.random.randint(k1, (BATCH,), 0, VOCAB)
    target = jax.random.randint(k2, (BATCH,), 0, VOCAB)
    init_range = 0.5 / EMBED
    in_embeddings = jax.random.uniform(k3, (VOCAB, EMBED), dtype=jnp.float32, minval=-init_range, maxval=init_range)
    # torch module zero-inits inner_vectors; use small random values instead so the
    # computation (and gradients) are numerically non-degenerate.
    inner_vectors = jax.random.normal(k4, (VOCAB - 1, EMBED), dtype=jnp.float32) * 0.01
    paths, codes, masks = _build_tree()
    return {
        "center": center,
        "target": target,
        "in_embeddings": in_embeddings,
        "inner_vectors": inner_vectors,
        "paths": jnp.asarray(paths),
        "codes": jnp.asarray(codes),
        "masks": jnp.asarray(masks),
    }


def reference(center, target, in_embeddings, inner_vectors, paths, codes, masks):
    # h = W[center]
    h = jnp.take(in_embeddings, center, axis=0)                 # (B, D)
    # gather Huffman path info for each target word
    paths_batch = jnp.take(paths, target, axis=0)               # (B, L) int
    codes_batch = jnp.take(codes, target, axis=0)               # (B, L)
    masks_batch = jnp.take(masks, target, axis=0)               # (B, L)
    # gather internal-node vectors along each path
    inner_emb = jnp.take(inner_vectors, paths_batch, axis=0)    # (B, L, D)
    # bmm(inner_emb, h) -> per-node scores
    scores = jnp.einsum('bld,bd->bl', inner_emb, h)             # (B, L)
    log_probs = jax.nn.log_sigmoid(codes_batch * scores)
    loss = -(log_probs * masks_batch).sum(axis=1)
    return loss.mean()

if __name__ == "__main__":
    import jax
    _d = setup_inputs()
    print(jax.jit(kernel)(*tuple(_d.values())))

</pallas_src>

<mosaic_0001>
#map = affine_map<(d0, d1) -> (0)>
#map1 = affine_map<(d0, d1) -> (0, 0, 0)>
module attributes {stable_mosaic.version = 14 : i64} {
  func.func @_hist_body(%arg0: i32, %arg1: i32, %arg2: memref<16384xi32, #tpu.memory_space<hbm>>, %arg3: memref<16384xi32, #tpu.memory_space<hbm>>, %arg4: memref<32x64x64xf32, #tpu.memory_space<hbm>>, %arg5: memref<64x64xf32, #tpu.memory_space<vmem>>, %arg6: memref<512xi32, #tpu.memory_space<vmem>>, %arg7: memref<512xi32, #tpu.memory_space<vmem>>, %arg8: memref<!tpu.dma_semaphore, #tpu.memory_space<semaphore_mem>>) attributes {dimension_semantics = [#tpu.dimension_semantics<core_parallel>, #tpu.dimension_semantics<subcore_parallel>], iteration_bounds = array<i64: 2, 16>, scalar_prefetch = 0 : i64, scratch_operands = 4 : i64, tpu.core_type = #tpu.core_type<sc_vector_subcore>, window_params = [{transform_indices = #map}, {transform_indices = #map}, {transform_indices = #map1}]} {
    %mul3A = arith.constant 2 : i32
    %mul3A_0 = arith.muli %arg1, %mul3A : i32
    %add3A = arith.addi %mul3A_0, %arg0 : i32
    %mul3A_1 = arith.constant 512 : i32
    %mul3A_2 = arith.muli %add3A, %mul3A_1 : i32
    %dma_start3A = tpu.memref_slice %arg2[%mul3A_2] : memref<16384xi32, #tpu.memory_space<hbm>> -> memref<512xi32, #tpu.memory_space<hbm>>
    %dma_start3A_3 = tpu.memref_slice %arg2[%mul3A_2] : memref<16384xi32, #tpu.memory_space<hbm>> -> memref<512xi32, #tpu.memory_space<hbm>>
    tpu.enqueue_dma source(%dma_start3A_3 : memref<512xi32, #tpu.memory_space<hbm>>) target(%arg6 : memref<512xi32, #tpu.memory_space<vmem>>) target_semaphore(%arg8 : memref<!tpu.dma_semaphore, #tpu.memory_space<semaphore_mem>>)
    %dma_start3A_4 = tpu.memref_slice %arg3[%mul3A_2] : memref<16384xi32, #tpu.memory_space<hbm>> -> memref<512xi32, #tpu.memory_space<hbm>>
    %dma_start3A_5 = tpu.memref_slice %arg3[%mul3A_2] : memref<16384xi32, #tpu.memory_space<hbm>> -> memref<512xi32, #tpu.memory_space<hbm>>
    tpu.enqueue_dma source(%dma_start3A_5 : memref<512xi32, #tpu.memory_space<hbm>>) target(%arg7 : memref<512xi32, #tpu.memory_space<vmem>>) target_semaphore(%arg8 : memref<!tpu.dma_semaphore, #tpu.memory_space<semaphore_mem>>)
    %broadcast_in_dim3A = arith.constant 0.000000e+00 : f32
    %broadcast_in_dim3A_6 = vector.broadcast %broadcast_in_dim3A : f32 to vector<16xf32>
    %scan3A = arith.constant 0 : i32
    %scan3A_7 = arith.constant 0 : i32
    %scan3A_8 = arith.constant 64 : i32
    %scan3A_9 = arith.addi %scan3A_7, %scan3A_8 : i32
    %scan3A_10 = arith.constant 1 : i32
    scf.for %scan3A_23 = %scan3A_7 to %scan3A_9 step %scan3A_10  : i32 {
      %swap3A = arith.index_cast %scan3A_23 : i32 to index
      %swap3A_24 = arith.constant 0 : index
      %swap3A_25 = tpu.vector_load %arg5[%swap3A, %swap3A_24] {strides = array<i32>} : memref<64x64xf32, #tpu.memory_space<vmem>>, vector<16xf32>,
      tpu.vector_store %arg5[%swap3A, %swap3A_24], %broadcast_in_dim3A_6 {strides = array<i32>} : memref<64x64xf32, #tpu.memory_space<vmem>>, vector<16xf32>,
      %swap3A_26 = arith.index_cast %scan3A_23 : i32 to index
      %swap3A_27 = arith.constant 16 : index
      %swap3A_28 = tpu.vector_load %arg5[%swap3A_26, %swap3A_27] {strides = array<i32>} : memref<64x64xf32, #tpu.memory_space<vmem>>, vector<16xf32>,
      tpu.vector_store %arg5[%swap3A_26, %swap3A_27], %broadcast_in_dim3A_6 {strides = array<i32>} : memref<64x64xf32, #tpu.memory_space<vmem>>, vector<16xf32>,
      %swap3A_29 = arith.index_cast %scan3A_23 : i32 to index
      %swap3A_30 = arith.constant 32 : index
      %swap3A_31 = tpu.vector_load %arg5[%swap3A_29, %swap3A_30] {strides = array<i32>} : memref<64x64xf32, #tpu.memory_space<vmem>>, vector<16xf32>,
      tpu.vector_store %arg5[%swap3A_29, %swap3A_30], %broadcast_in_dim3A_6 {strides = array<i32>} : memref<64x64xf32, #tpu.memory_space<vmem>>, vector<16xf32>,
      %swap3A_32 = arith.index_cast %scan3A_23 : i32 to index
      %swap3A_33 = arith.constant 48 : index
      %swap3A_34 = tpu.vector_load %arg5[%swap3A_32, %swap3A_33] {strides = array<i32>} : memref<64x64xf32, #tpu.memory_space<vmem>>, vector<16xf32>,
      tpu.vector_store %arg5[%swap3A_32, %swap3A_33], %broadcast_in_dim3A_6 {strides = array<i32>} : memref<64x64xf32, #tpu.memory_space<vmem>>, vector<16xf32>,
    }
    %scan3A_11 = arith.constant 64 : i32
    %dma_wait3A = tpu.memref_slice %arg2[%mul3A_2] : memref<16384xi32, #tpu.memory_space<hbm>> -> memref<512xi32, #tpu.memory_space<hbm>>
    %dma_wait3A_12 = tpu.memref_slice %arg2[%mul3A_2] : memref<16384xi32, #tpu.memory_space<hbm>> -> memref<512xi32, #tpu.memory_space<hbm>>
    tpu.wait_dma2 semaphore(%arg8 : memref<!tpu.dma_semaphore, #tpu.memory_space<semaphore_mem>>) src(%dma_wait3A_12 : memref<512xi32, #tpu.memory_space<hbm>>) dst(%arg6 : memref<512xi32, #tpu.memory_space<vmem>>)
    %dma_wait3A_13 = tpu.memref_slice %arg3[%mul3A_2] : memref<16384xi32, #tpu.memory_space<hbm>> -> memref<512xi32, #tpu.memory_space<hbm>>
    %dma_wait3A_14 = tpu.memref_slice %arg3[%mul3A_2] : memref<16384xi32, #tpu.memory_space<hbm>> -> memref<512xi32, #tpu.memory_space<hbm>>
    tpu.wait_dma2 semaphore(%arg8 : memref<!tpu.dma_semaphore, #tpu.memory_space<semaphore_mem>>) src(%dma_wait3A_14 : memref<512xi32, #tpu.memory_space<hbm>>) dst(%arg7 : memref<512xi32, #tpu.memory_space<vmem>>)
    %broadcast_in_dim3A_15 = arith.constant 1.000000e+00 : f32
    %broadcast_in_dim3A_16 = vector.broadcast %broadcast_in_dim3A_15 : f32 to vector<16xf32>
    %scan3A_17 = arith.constant 0 : i32
    %scan3A_18 = arith.constant 0 : i32
    %scan3A_19 = arith.constant 32 : i32
    %scan3A_20 = arith.addi %scan3A_18, %scan3A_19 : i32
    %scan3A_21 = arith.constant 1 : i32
    scf.for %scan3A_23 = %scan3A_18 to %scan3A_20 step %scan3A_21  : i32 {
      %mul3A_24 = arith.constant 16 : i32
      %mul3A_25 = arith.muli %scan3A_23, %mul3A_24 : i32
      %get3A = arith.index_cast %mul3A_25 : i32 to index
      %get3A_26 = tpu.vector_load %arg6[%get3A] {strides = array<i32>} : memref<512xi32, #tpu.memory_space<vmem>>, vector<16xi32>,
      %mul3A_27 = arith.constant 16 : i32
      %mul3A_28 = arith.muli %scan3A_23, %mul3A_27 : i32
      %get3A_29 = arith.index_cast %mul3A_28 : i32 to index
      %get3A_30 = tpu.vector_load %arg7[%get3A_29] {strides = array<i32>} : memref<512xi32, #tpu.memory_space<vmem>>, vector<16xi32>,
      tpu.vector_store_idx %arg5[%get3A_30, %get3A_26], %broadcast_in_dim3A_16 {add = true} : memref<64x64xf32, #tpu.memory_space<vmem>>[vector<16xi32>, vector<16xi32>], vector<16xf32>,
    }
    %scan3A_22 = arith.constant 32 : i32
    "tpu.region"() ({
      %run_scoped3A = tpu.sem_alloc : memref<!tpu.dma_semaphore, #tpu.memory_space<semaphore_mem>>
      %dma_start3A_23 = arith.constant 0 : i32
      %dma_start3A_24 = arith.constant 0 : i32
      %dma_start3A_25 = tpu.memref_slice %arg4[%add3A, %dma_start3A_23, %dma_start3A_24] : memref<32x64x64xf32, #tpu.memory_space<hbm>> -> memref<1x64x64xf32, #tpu.memory_space<hbm>>
      %dma_start3A_26 = tpu.memref_squeeze %dma_start3A_25 : memref<1x64x64xf32, #tpu.memory_space<hbm>> -> memref<64x64xf32, #tpu.memory_space<hbm>>
      %dma_start3A_27 = arith.constant 0 : i32
      %dma_start3A_28 = arith.constant 0 : i32
      %dma_start3A_29 = tpu.memref_slice %arg4[%add3A, %dma_start3A_27, %dma_start3A_28] : memref<32x64x64xf32, #tpu.memory_space<hbm>> -> memref<1x64x64xf32, #tpu.memory_space<hbm>>
      %dma_start3A_30 = tpu.memref_squeeze %dma_start3A_29 : memref<1x64x64xf32, #tpu.memory_space<hbm>> -> memref<64x64xf32, #tpu.memory_space<hbm>>
      tpu.enqueue_dma source(%arg5 : memref<64x64xf32, #tpu.memory_space<vmem>>) target(%dma_start3A_30 : memref<64x64xf32, #tpu.memory_space<hbm>>) target_semaphore(%run_scoped3A : memref<!tpu.dma_semaphore, #tpu.memory_space<semaphore_mem>>)
      %dma_wait3A_31 = arith.constant 0 : i32
      %dma_wait3A_32 = arith.constant 0 : i32
      %dma_wait3A_33 = tpu.memref_slice %arg4[%add3A, %dma_wait3A_31, %dma_wait3A_32] : memref<32x64x64xf32, #tpu.memory_space<hbm>> -> memref<1x64x64xf32, #tpu.memory_space<hbm>>
      %dma_wait3A_34 = tpu.memref_squeeze %dma_wait3A_33 : memref<1x64x64xf32, #tpu.memory_space<hbm>> -> memref<64x64xf32, #tpu.memory_space<hbm>>
      %dma_wait3A_35 = arith.constant 0 : i32
      %dma_wait3A_36 = arith.constant 0 : i32
      %dma_wait3A_37 = tpu.memref_slice %arg4[%add3A, %dma_wait3A_35, %dma_wait3A_36] : memref<32x64x64xf32, #tpu.memory_space<hbm>> -> memref<1x64x64xf32, #tpu.memory_space<hbm>>
      %dma_wait3A_38 = tpu.memref_squeeze %dma_wait3A_37 : memref<1x64x64xf32, #tpu.memory_space<hbm>> -> memref<64x64xf32, #tpu.memory_space<hbm>>
      tpu.wait_dma2 semaphore(%run_scoped3A : memref<!tpu.dma_semaphore, #tpu.memory_space<semaphore_mem>>) src(%arg5 : memref<64x64xf32, #tpu.memory_space<vmem>>) dst(%dma_wait3A_38 : memref<64x64xf32, #tpu.memory_space<hbm>>)
      tpu.yield
    }) : () -> ()
    return
  }
}

module attributes {stable_mosaic.version = 14 : i64} {
  func.func @_combine_body(%arg0: memref<32x64x64xf32, #tpu.memory_space<vmem>>, %arg1: memref<64x64xf32, #tpu.memory_space<vmem>>, %arg2: memref<1x1xf32, #tpu.memory_space<smem>>) attributes {dimension_semantics = [], scalar_prefetch = 0 : i64, scratch_operands = 0 : i64, tpu.core_type = #tpu.core_type<tc>} {
    %get3A = arith.constant 0 : index
    %get3A_0 = arith.constant 0 : index
    %get3A_1 = arith.constant 0 : index
    %get3A_2 = vector.load %arg0[%get3A, %get3A_0, %get3A_1] : memref<32x64x64xf32, #tpu.memory_space<vmem>>, vector<32x64x64xf32>
    %reduce_sum3A = arith.constant dense<0.000000e+00> : vector<64x64xf32>
    %reduce_sum3A_3 = vector.multi_reduction <add>, %get3A_2, %reduce_sum3A [0] : vector<32x64x64xf32> to vector<64x64xf32>
    %get3A_4 = arith.constant 0 : index
    %get3A_5 = arith.constant 0 : index
    %get3A_6 = vector.load %arg1[%get3A_4, %get3A_5] : memref<64x64xf32, #tpu.memory_space<vmem>>, vector<64x64xf32>
    %mul3A = arith.mulf %reduce_sum3A_3, %get3A_6 : vector<64x64xf32>
    %reduce_sum3A_7 = vector.shape_cast %mul3A : vector<64x64xf32> to vector<1x64x64xf32>
    %reduce_sum3A_8 = arith.constant dense<0.000000e+00> : vector<1xf32>
    %reduce_sum3A_9 = vector.multi_reduction <add>, %reduce_sum3A_7, %reduce_sum3A_8 [1, 2] : vector<1x64x64xf32> to vector<1xf32>
    %reduce_sum3A_10 = vector.shape_cast %reduce_sum3A_9 : vector<1xf32> to vector<1x1x1xf32>
    %reduce_sum3A_11 = vector.extract %reduce_sum3A_10[0, 0, 0] : f32 from vector<1x1x1xf32>
    %swap3A = arith.constant 0 : index
    %swap3A_12 = arith.constant 0 : index
    %swap3A_13 = memref.load %arg2[%swap3A, %swap3A_12] : memref<1x1xf32, #tpu.memory_space<smem>>
    memref.store %reduce_sum3A_11, %arg2[%swap3A, %swap3A_12] : memref<1x1xf32, #tpu.memory_space<smem>>
    return
  }
}

module attributes {stable_mosaic.version = 14 : i64} {
  func.func @_table_body(%arg0: memref<64x128xf32, #tpu.memory_space<vmem>>, %arg1: memref<63x128xf32, #tpu.memory_space<vmem>>, %arg2: memref<64x6xi32, #tpu.memory_space<vmem>>, %arg3: memref<64x6xf32, #tpu.memory_space<vmem>>, %arg4: memref<64x6xf32, #tpu.memory_space<vmem>>, %arg5: memref<64x64xf32, #tpu.memory_space<vmem>>) attributes {dimension_semantics = [], scalar_prefetch = 0 : i64, scratch_operands = 0 : i64, tpu.core_type = #tpu.core_type<tc>} {
    %get3A = arith.constant 0 : index
    %get3A_0 = arith.constant 0 : index
    %get3A_1 = vector.load %arg0[%get3A, %get3A_0] : memref<64x128xf32, #tpu.memory_space<vmem>>, vector<64x128xf32>
    %get3A_2 = arith.constant 0 : index
    %get3A_3 = arith.constant 0 : index
    %get3A_4 = vector.load %arg1[%get3A_2, %get3A_3] : memref<63x128xf32, #tpu.memory_space<vmem>>, vector<63x128xf32>
    %dot_general3A = arith.constant dense<0.000000e+00> : vector<64x63xf32>
    %dot_general3A_5 = tpu.matmul %get3A_1, %get3A_4, %dot_general3A {dimension_numbers = #tpu.dot_dimension_numbers<[1], [1], [0], [0], [0, 0, 1, 0], [], []>, transpose_lhs_hint = false} : vector<64x128xf32>, vector<63x128xf32>, vector<64x63xf32> -> vector<64x63xf32>
    %iota3A = tpu.iota {dimensions = array<i32: 1>} : vector<64x63xi32>
    %get3A_6 = arith.constant 0 : index
    %get3A_7 = arith.constant 0 : index
    %get3A_8 = vector.load %arg2[%get3A_6, %get3A_7] : memref<64x6xi32, #tpu.memory_space<vmem>>, vector<64x1xi32>
    %eq3A = vector.broadcast %get3A_8 : vector<64x1xi32> to vector<64x63xi32>
    %eq3A_9 = arith.cmpi eq, %eq3A, %iota3A : vector<64x63xi32>
    %convert_element_type3A = arith.extui %eq3A_9 : vector<64x63xi1> to vector<64x63xi32>
    %convert_element_type3A_10 = arith.sitofp %convert_element_type3A : vector<64x63xi32> to vector<64x63xf32>
    %get3A_11 = arith.constant 0 : index
    %get3A_12 = arith.constant 1 : index
    %get3A_13 = vector.load %arg2[%get3A_11, %get3A_12] : memref<64x6xi32, #tpu.memory_space<vmem>>, vector<64x1xi32>
    %eq3A_14 = vector.broadcast %get3A_13 : vector<64x1xi32> to vector<64x63xi32>
    %eq3A_15 = arith.cmpi eq, %eq3A_14, %iota3A : vector<64x63xi32>
    %convert_element_type3A_16 = arith.extui %eq3A_15 : vector<64x63xi1> to vector<64x63xi32>
    %convert_element_type3A_17 = arith.sitofp %convert_element_type3A_16 : vector<64x63xi32> to vector<64x63xf32>
    %get3A_18 = arith.constant 0 : index
    %get3A_19 = arith.constant 2 : index
    %get3A_20 = vector.load %arg2[%get3A_18, %get3A_19] : memref<64x6xi32, #tpu.memory_space<vmem>>, vector<64x1xi32>
    %eq3A_21 = vector.broadcast %get3A_20 : vector<64x1xi32> to vector<64x63xi32>
    %eq3A_22 = arith.cmpi eq, %eq3A_21, %iota3A : vector<64x63xi32>
    %convert_element_type3A_23 = arith.extui %eq3A_22 : vector<64x63xi1> to vector<64x63xi32>
    %convert_element_type3A_24 = arith.sitofp %convert_element_type3A_23 : vector<64x63xi32> to vector<64x63xf32>
    %get3A_25 = arith.constant 0 : index
    %get3A_26 = arith.constant 3 : index
    %get3A_27 = vector.load %arg2[%get3A_25, %get3A_26] : memref<64x6xi32, #tpu.memory_space<vmem>>, vector<64x1xi32>
    %eq3A_28 = vector.broadcast %get3A_27 : vector<64x1xi32> to vector<64x63xi32>
    %eq3A_29 = arith.cmpi eq, %eq3A_28, %iota3A : vector<64x63xi32>
    %convert_element_type3A_30 = arith.extui %eq3A_29 : vector<64x63xi1> to vector<64x63xi32>
    %convert_element_type3A_31 = arith.sitofp %convert_element_type3A_30 : vector<64x63xi32> to vector<64x63xf32>
    %get3A_32 = arith.constant 0 : index
    %get3A_33 = arith.constant 4 : index
    %get3A_34 = vector.load %arg2[%get3A_32, %get3A_33] : memref<64x6xi32, #tpu.memory_space<vmem>>, vector<64x1xi32>
    %eq3A_35 = vector.broadcast %get3A_34 : vector<64x1xi32> to vector<64x63xi32>
    %eq3A_36 = arith.cmpi eq, %eq3A_35, %iota3A : vector<64x63xi32>
    %convert_element_type3A_37 = arith.extui %eq3A_36 : vector<64x63xi1> to vector<64x63xi32>
    %convert_element_type3A_38 = arith.sitofp %convert_element_type3A_37 : vector<64x63xi32> to vector<64x63xf32>
    %get3A_39 = arith.constant 0 : index
    %get3A_40 = arith.constant 5 : index
    %get3A_41 = vector.load %arg2[%get3A_39, %get3A_40] : memref<64x6xi32, #tpu.memory_space<vmem>>, vector<64x1xi32>
    %eq3A_42 = vector.broadcast %get3A_41 : vector<64x1xi32> to vector<64x63xi32>
    %eq3A_43 = arith.cmpi eq, %eq3A_42, %iota3A : vector<64x63xi32>
    %convert_element_type3A_44 = arith.extui %eq3A_43 : vector<64x63xi1> to vector<64x63xi32>
    %convert_element_type3A_45 = arith.sitofp %convert_element_type3A_44 : vector<64x63xi32> to vector<64x63xf32>
    %concatenate3A = tpu.concatenate %convert_element_type3A_10, %convert_element_type3A_17, %convert_element_type3A_24, %convert_element_type3A_31, %convert_element_type3A_38, %convert_element_type3A_45 in 0 : vector<64x63xf32>, vector<64x63xf32>, vector<64x63xf32>, vector<64x63xf32>, vector<64x63xf32>, vector<64x63xf32> -> vector<384x63xf32>
    %dot_general3A_46 = arith.constant dense<0.000000e+00> : vector<384x64xf32>
    %dot_general3A_47 = tpu.matmul %concatenate3A, %dot_general3A_5, %dot_general3A_46 {dimension_numbers = #tpu.dot_dimension_numbers<[1], [1], [0], [0], [0, 0, 1, 0], [], []>, transpose_lhs_hint = false} : vector<384x63xf32>, vector<64x63xf32>, vector<384x64xf32> -> vector<384x64xf32>
    %get3A_48 = arith.constant 0 : index
    %get3A_49 = arith.constant 0 : index
    %get3A_50 = vector.load %arg3[%get3A_48, %get3A_49] : memref<64x6xf32, #tpu.memory_space<vmem>>, vector<64x1xf32>
    %get3A_51 = arith.constant 0 : index
    %get3A_52 = arith.constant 1 : index
    %get3A_53 = vector.load %arg3[%get3A_51, %get3A_52] : memref<64x6xf32, #tpu.memory_space<vmem>>, vector<64x1xf32>
    %get3A_54 = arith.constant 0 : index
    %get3A_55 = arith.constant 2 : index
    %get3A_56 = vector.load %arg3[%get3A_54, %get3A_55] : memref<64x6xf32, #tpu.memory_space<vmem>>, vector<64x1xf32>
    %get3A_57 = arith.constant 0 : index
    %get3A_58 = arith.constant 3 : index
    %get3A_59 = vector.load %arg3[%get3A_57, %get3A_58] : memref<64x6xf32, #tpu.memory_space<vmem>>, vector<64x1xf32>
    %get3A_60 = arith.constant 0 : index
    %get3A_61 = arith.constant 4 : index
    %get3A_62 = vector.load %arg3[%get3A_60, %get3A_61] : memref<64x6xf32, #tpu.memory_space<vmem>>, vector<64x1xf32>
    %get3A_63 = arith.constant 0 : index
    %get3A_64 = arith.constant 5 : index
    %get3A_65 = vector.load %arg3[%get3A_63, %get3A_64] : memref<64x6xf32, #tpu.memory_space<vmem>>, vector<64x1xf32>
    %concatenate3A_66 = tpu.concatenate %get3A_50, %get3A_53, %get3A_56, %get3A_59, %get3A_62, %get3A_65 in 0 : vector<64x1xf32>, vector<64x1xf32>, vector<64x1xf32>, vector<64x1xf32>, vector<64x1xf32>, vector<64x1xf32> -> vector<384x1xf32>
    %get3A_67 = arith.constant 0 : index
    %get3A_68 = arith.constant 0 : index
    %get3A_69 = vector.load %arg4[%get3A_67, %get3A_68] : memref<64x6xf32, #tpu.memory_space<vmem>>, vector<64x1xf32>
    %get3A_70 = arith.constant 0 : index
    %get3A_71 = arith.constant 1 : index
    %get3A_72 = vector.load %arg4[%get3A_70, %get3A_71] : memref<64x6xf32, #tpu.memory_space<vmem>>, vector<64x1xf32>
    %get3A_73 = arith.constant 0 : index
    %get3A_74 = arith.constant 2 : index
    %get3A_75 = vector.load %arg4[%get3A_73, %get3A_74] : memref<64x6xf32, #tpu.memory_space<vmem>>, vector<64x1xf32>
    %get3A_76 = arith.constant 0 : index
    %get3A_77 = arith.constant 3 : index
    %get3A_78 = vector.load %arg4[%get3A_76, %get3A_77] : memref<64x6xf32, #tpu.memory_space<vmem>>, vector<64x1xf32>
    %get3A_79 = arith.constant 0 : index
    %get3A_80 = arith.constant 4 : index
    %get3A_81 = vector.load %arg4[%get3A_79, %get3A_80] : memref<64x6xf32, #tpu.memory_space<vmem>>, vector<64x1xf32>
    %get3A_82 = arith.constant 0 : index
    %get3A_83 = arith.constant 5 : index
    %get3A_84 = vector.load %arg4[%get3A_82, %get3A_83] : memref<64x6xf32, #tpu.memory_space<vmem>>, vector<64x1xf32>
    %concatenate3A_85 = tpu.concatenate %get3A_69, %get3A_72, %get3A_75, %get3A_78, %get3A_81, %get3A_84 in 0 : vector<64x1xf32>, vector<64x1xf32>, vector<64x1xf32>, vector<64x1xf32>, vector<64x1xf32>, vector<64x1xf32> -> vector<384x1xf32>
    %mul3A = vector.broadcast %concatenate3A_66 : vector<384x1xf32> to vector<384x64xf32>
    %mul3A_86 = arith.mulf %mul3A, %dot_general3A_47 : vector<384x64xf32>
    %min3A = arith.constant 0.000000e+00 : f32
    %min3A_87 = vector.broadcast %min3A : f32 to vector<384x64xf32>
    %min3A_88 = arith.minimumf %mul3A_86, %min3A_87 : vector<384x64xf32>
    %abs3A = math.absf %mul3A_86 : vector<384x64xf32>
    %neg3A = arith.constant 0.000000e+00 : f32
    %neg3A_89 = vector.broadcast %neg3A : f32 to vector<384x64xf32>
    %neg3A_90 = arith.subf %neg3A_89, %abs3A : vector<384x64xf32>
    %exp3A = math.exp %neg3A_90 : vector<384x64xf32>
    %add3A = arith.constant 1.000000e+00 : f32
    %add3A_91 = vector.broadcast %add3A : f32 to vector<384x64xf32>
    %add3A_92 = arith.addf %add3A_91, %exp3A : vector<384x64xf32>
    %log3A = math.log %add3A_92 : vector<384x64xf32>
    %sub3A = arith.subf %min3A_88, %log3A : vector<384x64xf32>
    %mul3A_93 = vector.broadcast %concatenate3A_85 : vector<384x1xf32> to vector<384x64xf32>
    %mul3A_94 = arith.mulf %sub3A, %mul3A_93 : vector<384x64xf32>
    %slice3A = vector.extract_strided_slice %mul3A_94 {offsets = [0, 0], sizes = [64, 64], strides = [1, 1]} : vector<384x64xf32> to vector<64x64xf32>
    %slice3A_95 = vector.extract_strided_slice %mul3A_94 {offsets = [64, 0], sizes = [64, 64], strides = [1, 1]} : vector<384x64xf32> to vector<64x64xf32>
    %add3A_96 = arith.addf %slice3A, %slice3A_95 : vector<64x64xf32>
    %slice3A_97 = vector.extract_strided_slice %mul3A_94 {offsets = [128, 0], sizes = [64, 64], strides = [1, 1]} : vector<384x64xf32> to vector<64x64xf32>
    %add3A_98 = arith.addf %add3A_96, %slice3A_97 : vector<64x64xf32>
    %slice3A_99 = vector.extract_strided_slice %mul3A_94 {offsets = [192, 0], sizes = [64, 64], strides = [1, 1]} : vector<384x64xf32> to vector<64x64xf32>
    %add3A_100 = arith.addf %add3A_98, %slice3A_99 : vector<64x64xf32>
    %slice3A_101 = vector.extract_strided_slice %mul3A_94 {offsets = [256, 0], sizes = [64, 64], strides = [1, 1]} : vector<384x64xf32> to vector<64x64xf32>
    %add3A_102 = arith.addf %add3A_100, %slice3A_101 : vector<64x64xf32>
    %slice3A_103 = vector.extract_strided_slice %mul3A_94 {offsets = [320, 0], sizes = [64, 64], strides = [1, 1]} : vector<384x64xf32> to vector<64x64xf32>
    %add3A_104 = arith.addf %add3A_102, %slice3A_103 : vector<64x64xf32>
    %mul3A_105 = arith.constant -6.10351563E-5 : f32
    %mul3A_106 = vector.broadcast %mul3A_105 : f32 to vector<64x64xf32>
    %mul3A_107 = arith.mulf %add3A_104, %mul3A_106 : vector<64x64xf32>
    %swap3A = arith.constant 0 : index
    %swap3A_108 = arith.constant 0 : index
    %swap3A_109 = vector.load %arg5[%swap3A, %swap3A_108] : memref<64x64xf32, #tpu.memory_space<vmem>>, vector<64x64xf32>
    tpu.vector_store %arg5[%swap3A, %swap3A_108], %mul3A_107 {strides = array<i32>} : memref<64x64xf32, #tpu.memory_space<vmem>>, vector<64x64xf32>,
    return
  }
}

</mosaic_0001>

<sc_bundles>
// kernel: kernel.5.cloned.1.call-start
scs
__scs_entry_jumppad:
0x0: {  	(pc) =	sbr.rel $0x88, $3  }
0x1: {  	(tag) =	ssettag $0x0;
	lr =	simm.s32 $0x1  }
0x2: {  	[smem:$0x3F9A] =	sst lr;
	_ =	strace $0xD0000000  }
0x3: {  	_ = 	snop  }
0x4: {  	_ = 	snop  }
0x5: {  	_ = 	snop  }
0x6: {  	_ = 	snop  }
0x7: {  	_ = 	snop  }
__scs_overlays_trampoline_lowered:
0x8: {  	[smem:$0x3FA9] =	sst s0  }
0x9: {  	[smem:$0x3FAA] =	sst s1  }
0xa: {  	[smem:$0x3FAB] =	sst s2  }
0xb: {  	[smem:$0x3FAC] =	sst s3  }
0xc: {  	[smem:$0x3FAD] =	sst s4  }
0xd: {  	[smem:$0x3FAE] =	sst s5  }
0xe: {  	[smem:$0x3FAF] =	sst s6  }
0xf: {  	[smem:$0x3FB0] =	sst s7  }
0x10: {  	[smem:$0x3FB1] =	sst s8  }
0x11: {  	[smem:$0x3FB2] =	sst s9;
	s0 =	simm.s32 @!p0 $0x0  }
0x12: {  	s1 =	sld [smem:$0x3F98];
	s0 =	simm.s32 @p0 $0x1  }
0x13: {  	[smem:$0x3FB3] =	sst s0;
	s0 =	simm.s32 @!p1 $0x0  }
0x14: {  	s2 =	sld [smem:$0x3F97];
	s0 =	simm.s32 @p1 $0x1  }
0x15: {  	[smem:$0x3FB4] =	sst s0;
	s0 =	simm.s32 @!p2 $0x0  }
0x16: {  	s3 =	sld [smem:$0x3FDB];
	s0 =	simm.s32 @p2 $0x1  }
0x17: {  	s4 =	simm.s32 $0x1BF5;
	[smem:$0x3FB6] =	sst s0  }
0x18: {  	s0 =	sld [smem:$0x3F99];
	_ =	swait.ge [sflag:s4], $0x0  }
0x19: {  	s7 =	sld [smem:$0x3F9A]  }
0x1a: {  	s8 =	sadd.s32 $0xFFFFE003, lr  }
0x1b: {  	s9 =	sadd.s32 $0xFFFFFEF7, lr;
	s5 =	simm.s32 $0xFFFFFFFF;
	p2 =	slt.u32 s8, $0xFFFFF086  }
0x1c: {  	p1 =	slt.u32 s9, $0xF7A;
	s5 =	simm.s32 @!p2 $0x0  }
0x1d: {  	s5 =	simm.s32 @p1 $0x1;
	p0 =	seq.s32 s7, s2  }
0x1e: {  	s7 =	smul.u32 @!p0 $0xF7A, s2;
	p2 =	seq.s32 @!p0 s5, $0x0  }
0x1f: {  	s9 =	smul.u32 $0xF7A, s1;
	s8 =	simm.s32 @!p0 $0x1BF5;
	p2 =	por !p2, p0  }
0x20: {  	[sflag:s8] =	ssyncset.s32 @!p0 $0xFFFFF086;
	s6 =	sadd.s32 @!p0 s3, s7;
	s7 =	simm.s32 @!p0 $0x108  }
0x21: {  	s3 =	sadd.s32 s3, s9;
	s6 =	sadd.s32 @!p0 $0x88, s6;
	s7 =	simm.s32 @p2 $0x1082  }
0x22: {  	[simem:s7], [sflag:s8] =	dma.local @!p0 [hbm:s6], $0xF7A  }
0x23: {  	s9 =	sor.u32 $0xD0000000, s2;
	s6 =	simm.s32 $0x108;
	_ =	swait.ge @!p0 [sflag:s8], $0x0  }
0x24: {  	s3 =	sadd.s32 $0x88, s3;
	s6 =	simm.s32 @!p1 $0x1082;
	[sflag:s4] =	ssyncset.s32 $0xFFFFF086  }
0x25: {  	[simem:s6], [sflag:s4] =	dma.local [hbm:s3], $0xF7A  }
0x26: {  	[smem:$0x3F9A] =	sst s1;
	(tag) =	ssettag s2;
	_ =	strace s9  }
0x27: {  	s1 =	sld [smem:$0x3FAA]  }
0x28: {  	s2 =	sld [smem:$0x3FAB]  }
0x29: {  	s4 =	sld [smem:$0x3FAD]  }
0x2a: {  	p0 =	seq.s32 s5, $0x0;
	s5 =	sld [smem:$0x3FAE]  }
0x2b: {  	s6 =	sld [smem:$0x3FAF]  }
0x2c: {  	s7 =	sld [smem:$0x3FB0]  }
0x2d: {  	s3 =	simm.s32 $0x108;
	s8 =	sld [smem:$0x3FB1]  }
0x2e: {  	s3 =	simm.s32 @!p0 $0x1082;
	s9 =	sld [smem:$0x3FB2]  }
0x2f: {  	lr =	sadd.s32 s0, s3;
	s0 =	sld [smem:$0x3FA9]  }
0x30: {  	s3 =	sld [smem:$0x3FAC]  }
0x31: {  	[smem:$0x3FB5] =	sst s10  }
0x32: {  	s10 =	sld [smem:$0x3FB3];
	_ =	sdelay $0x3  }
0x33: {  	p0 =	seq.s32 s10, $0x1;
	s10 =	sld [smem:$0x3FB5];
	_ =	sdelay $0x3  }
0x34: {  	[smem:$0x3FB5] =	sst s10  }
0x35: {  	s10 =	sld [smem:$0x3FB4];
	_ =	sdelay $0x3  }
0x36: {  	p1 =	seq.s32 s10, $0x1;
	s10 =	sld [smem:$0x3FB5];
	_ =	sdelay $0x3  }
0x37: {  	[smem:$0x3FB5] =	sst s10  }
0x38: {  	s10 =	sld [smem:$0x3FB6]  }
0x39: {  	_ = 	snop;
	(pc) =	sbr.ind lr, $3  }
0x3a: {  	_ = 	snop  }
0x3b: {  	_ = 	snop  }
0x3c: {  	p2 =	seq.s32 s10, $0x1;
	s10 =	sld [smem:$0x3FB5]  }
0x3d: {  	_ =	shalt  }
0x3e: {  	_ =	shalt  }
0x3f: {  	_ =	shalt  }
0x40: {  	_ =	shalt  }
0x41: {  	_ =	shalt  }
0x42: {  	_ =	shalt  }
0x43: {  	_ =	shalt  }
0x44: {  	_ =	shalt  }
0x45: {  	_ =	shalt  }
0x46: {  	_ =	shalt  }
0x47: {  	_ =	shalt  }
0x48: {  	_ =	shalt  }
0x49: {  	_ =	shalt  }
0x4a: {  	_ =	shalt  }
0x4b: {  	_ =	shalt  }
0x4c: {  	_ =	shalt  }
0x4d: {  	_ =	shalt  }
0x4e: {  	_ =	shalt  }
0x4f: {  	_ =	shalt  }
0x50: {  	_ =	shalt  }
0x51: {  	_ =	shalt  }
0x52: {  	_ =	shalt  }
0x53: {  	_ =	shalt  }
0x54: {  	_ =	shalt  }
0x55: {  	_ =	shalt  }
0x56: {  	_ =	shalt  }
0x57: {  	_ =	shalt  }
0x58: {  	_ =	shalt  }
0x59: {  	_ =	shalt  }
0x5a: {  	_ =	shalt  }
0x5b: {  	_ =	shalt  }
0x5c: {  	_ =	shalt  }
0x5d: {  	_ =	shalt  }
0x5e: {  	_ =	shalt  }
0x5f: {  	_ =	shalt  }
0x60: {  	_ =	shalt  }
0x61: {  	_ =	shalt  }
0x62: {  	_ =	shalt  }
0x63: {  	_ =	shalt  }
0x64: {  	_ =	shalt  }
0x65: {  	_ =	shalt  }
0x66: {  	_ =	shalt  }
0x67: {  	_ =	shalt  }
0x68: {  	_ =	shalt  }
0x69: {  	_ =	shalt  }
0x6a: {  	_ =	shalt  }
0x6b: {  	_ =	shalt  }
0x6c: {  	_ =	shalt  }
0x6d: {  	_ =	shalt  }
0x6e: {  	_ =	shalt  }
0x6f: {  	_ =	shalt  }
0x70: {  	_ =	shalt  }
0x71: {  	_ =	shalt  }
0x72: {  	_ =	shalt  }
0x73: {  	_ =	shalt  }
0x74: {  	_ =	shalt  }
0x75: {  	_ =	shalt  }
0x76: {  	_ =	shalt  }
0x77: {  	_ =	shalt  }
0x78: {  	_ =	shalt  }
0x79: {  	_ =	shalt  }
0x7a: {  	_ =	shalt  }
0x7b: {  	_ =	shalt  }
0x7c: {  	_ =	shalt  }
0x7d: {  	_ =	shalt  }
0x7e: {  	_ =	shalt  }
0x7f: {  	_ =	shalt  }
0x80: {  	_ =	shalt  }
0x81: {  	_ =	shalt  }
0x82: {  	_ =	shalt  }
0x83: {  	_ =	shalt  }
0x84: {  	_ =	shalt  }
0x85: {  	_ =	shalt  }
0x86: {  	_ =	shalt  }
0x87: {  	_ =	shalt  }
.Lfunc_end0:
.L_simem_size_0:
called_computation_lowered:
.L_overlay_start_0:
0x88: {  	s2 =	sld [smem:$0x3FD9]  }
0x89: {  	s3 =	sld [smem:$0x3FFE];
	_ =	sdelay $0x1  }
0x8a: {  	s1 =	srdreg.scid  }
0x8b: {  	s0 =	sand.u32 $0x1, s1  }
0x8c: {  	s17 =	sshll.u32 s0, $0xA;
	s2 =	sadd.s32 s3, s2  }
0x8d: {  	s2 =	sadd.s32 s2, s17  }
0x8e: {  	[smem:$0x3FC1] =	sst s2  }
0x8f: {  	_ = 	snop  }
0x90: {  	s2 =	sld [smem:$0x3FC9]  }
0x91: {  	s18 =	sld [smem:$0x3FC8];
	(tm) =	ssettm $0x1  }
0x92: {  	s4 =	sld [smem:$0x3FFB];
	_ =	sdelay $0x3  }
0x93: {  	_ =	strace s4  }
0x94: {  	s4 =	sld [smem:$0x3FFC];
	_ =	sdelay $0x3  }
0x95: {  	_ =	strace s4  }
0x96: {  	s4 =	sld [smem:$0x3FFD];
	_ =	sdelay $0x3  }
0x97: {  	_ =	strace s4  }
0x98: {  	_ =	strace $0x8FFFFFFF  }
0x99: {  	s19 =	sld [smem:$0x3FDB];
	_ =	sdelay $0x1  }
0x9a: {  	s5 =	simm.s32 $_scs_section_size  }
0x9b: {  	s6 =	simm.s32 $_size__tile_overlayer_lowered;
	s7 =	simm.s32 $_tile_overlayer_lowered  }
0x9c: {  	s22 =	simm.s32 $0x1BFF;
	s21 =	sshll.u32 s7, $0x1;
	s4 =	sadd.s32 s5, s19  }
0x9d: {  	s8 =	simm.s32 $0x0;
	s20 =	sshll.u32 s6, $0x1;
	s6 =	sadd.s32 s21, s4  }
0x9e: {  	[timem:s8], [sflag:s22] =	dma.local [hbm:s6], s20  }
0x9f: {  	_ =	swait.ge [sflag:s22], s20  }
0xa0: {  	s5 =	ssub.s32 $0x0, s20;
	[sflag:s22] =	ssyncset.done $0x0  }
0xa1: {  	[sflag:s22] =	ssyncadd.s32 s5;
	_ =	sdelay $0x1  }
0xa2: {  	s23 =	simm.s32 $0x1B8B  }
0xa3: {  	_ =	swait.ge [sflag:s23], $0x1  }
0xa4: {  	[sflag:s23] =	ssyncset.done $0x0  }
0xa5: {  	s25 =	simm.s32 $0x1B8E;
	s24 =	sld [smem:$0x3FFE];
	[sflag:s23] =	ssyncadd.s32 $0xFFFFFFFF  }
0xa6: {  	s26 =	simm.s32 $execute0_lowered;
	[smem:$0x3FD2] =	sst s25  }
0xa7: {  	s6 =	sshll.u32 s26, $0x1;
	_ =	strace $0x80000046;
	[dreg:$0x1] =	wrdreg $0xFFFFFFFF  }
0xa8: {  	s28 =	simm.s32 $_size_execute0_lowered;
	s4 =	sadd.s32 s4, s6;
	[dreg:$0x0] =	wrdreg $0x0  }
0xa9: {  	s6 =	sshll.u32 s28, $0x1;
	[dreg:$0x2] =	wrdreg s4  }
0xaa: {  	[dreg:$0x3] =	wrdreg s6  }
0xab: {  	[dreg:$0x4] =	wrdreg $0xC0  }
0xac: {  	_ =	task [dreg:s8], $0x5FFFF  }
0xad: {  	[dreg:$0x1] =	wrdreg $0xFFFFFFFF  }
0xae: {  	[dreg:$0x0] =	wrdreg $0x60  }
0xaf: {  	[dreg:$0x2] =	wrdreg s2  }
0xb0: {  	[dreg:$0x3] =	wrdreg s18  }
0xb1: {  	[dreg:$0x4] =	wrdreg s24  }
0xb2: {  	[dreg:$0x5] =	wrdreg $0x9  }
0xb3: {  	_ =	task.clear_ibuf [dreg:s8], $0x6FFFF;
	_ =	strace $0x90000046  }
0xb4: {  	s29 =	simm.s32 $0x9;
	_ =	strace $0x80000048  }
0xb5: {  	_ =	swait.ge [sflag:s29], $0x1  }
0xb6: {  	[sflag:s29] =	ssyncadd.s32 $0xFFFFFFFF  }
0xb7: {  	_ =	strace $0x90000048  }
0xb8: {  	_ =	sfence  }
0xb9: {  	s30 =	sld [smem:$0x0];
	_ =	sdelay $0x2  }
0xba: {  	s31 =	sshll.u32 s1, $0xD;
	s1 =	sshrl.u32 s1, $0x2  }
0xbb: {  	s3 =	sand.u32 $0x4000, s31;
	s1 =	sadd.s32 s1, s30  }
0xbc: {  	s0 =	sor.u32 s3, s0;
	s1 =	sshll.u32 s1, $0x11  }
0xbd: {  	s0 =	sor.u32 s1, s0  }
0xbe: {  	s0 =	sadd.s32 $0x8F2B, s0  }
0xbf: {  	[sflag:s0] =	ssyncadd.remote.s32 $0x1  }
0xc0: {  	_ =	sfence.sel $0xFFFF  }
0xc1: {  	[dreg:$0x0] =	wrdreg $0xFFFFFFFF;
	(pc) =	sbr.abs _section_cstart, $3  }
0xc2: {  	[dreg:$0x1] =	wrdreg $0xFFFFFFFF  }
0xc3: {  	_ =	task.clear_ibuf [dreg:s8], $0x2FFFF;
	_ =	strace $0x9FFFFFFF  }
0xc4: {  	(tm) =	ssettm $0x7FFFFFFF  }
0xc5: {  	_ =	shalt  }
tec
execute0_lowered:
.L_overlay_start_1:
0x0: {  	(tag) =	ssettag $0x1  }
0x1: {  	s3 =	rddreg [dreg:$0x0]  }
0x2: {  	s4 =	rddreg [dreg:$0x1]  }
0x3: {  	s5 =	rddreg [dreg:$0x2]  }
0x4: {  	s0 =	rddreg [dreg:$0x3]  }
0x5: {  	s6 =	srdreg.scid;
	s1 =	stileid.u32  }
0x6: {  	s2 =	simm.s32 $0x0;
	s10 =	simm.s32 $0x2;
	s11 =	simm.s32 $0x0  }
0x7: {  	s6 =	sand.u32 $0x1, s6;
	s7 =	sshll.u32 s1, $0x1;
	[smem:$0x7FF] =	sst s2  }
0x8: {  	s7 =	sor.u32 s6, s7;
	s6 =	ssub.s32 $0x2, s6;
	_ =	strace $0x80000047  }
0x9: {  	s8 =	sshll.u32 s7, $0xA;
	s9 =	sshrl.u32 s6, $0x1;
	s7 =	sshll.u32 s7, $0x6  }
0xa: {  	s5 =	sadd.s32 s8, s5;
	s6 =	ssub.s32 s6, s9;
	s3 =	sadd.s32 s3, s7  }
0xb: {  	s4 =	sadd.s32 s4, s7;
	s7 =	simm.s32 $0x2000;
	s8 =	simm.s32 $0x2200  }
0xc: {  	v0 =	vimm.f32 $0.0e+00;
	v1 =	vimm.f32 $1.000000000e+00;
	s9 =	simm.s32 $0x1;
	s5 =	sadd.s32 $0x1000, s5;
	s6 =	smax.u32 s6, $0x1  }
.LBB2_1:
0xd: {  	[tilespmem:s7], [sflag:$0x1] =	stream.linear.gather [hbm4b:s3+s2], $0x200, $0x38;
	[tilespmem:$0x2400] =	vst v63  }
0xe: {  	s13 =	simm.s32 $0x200;
	s12 =	simm.s32 $0x0  }
0xf: {  	[tilespmem:s8], [sflag:$0x1] =	stream.linear.gather [hbm4b:s4+s2], $0x200, $0x38;
	[tilespmem:$0x2400] =	vst v63  }
.LBB2_2:
0x10: {  	p0 =	sne.s32 s13, $0x7E00;
	[tilespmem:s12+$0x30] =	vst v0;
	s14 =	smov.u32 s13;
	s13 =	sadd.s32 $0x200, s13  }
.Ltmp0:
0x11: {  	[tilespmem:s12+$0x20] =	vst v0;
	(pc) =	sbr.rel @p0 .LBB2_2-.Ltmp0, $3  }
0x12: {  	[tilespmem:s12+$0x0] =	vst v0  }
0x13: {  	[tilespmem:s12+$0x10] =	vst v0;
	_ =	sdelay $0x1  }
0x14: {  	s12 =	sshra.s32 s14, $0x2  }
0x15: {  	[tilespmem:s12+$0x30] =	vst v0  }
0x16: {  	[tilespmem:s12+$0x20] =	vst v0  }
0x17: {  	[tilespmem:s12+$0x0] =	vst v0  }
0x18: {  	[tilespmem:s12+$0x10] =	vst v0  }
0x19: {  	_ =	swait.ge [sflag:s9], $0x200  }
0x1a: {  	[sflag:s9] =	ssyncset.done $0x0  }
0x1b: {  	[sflag:s9] =	ssyncadd.s32 $0xFFFFFE00  }
0x1c: {  	_ =	swait.ge [sflag:s9], $0x200  }
0x1d: {  	[sflag:s9] =	ssyncset.done $0x0  }
0x1e: {  	s13 =	simm.s32 $0x0;
	[sflag:s9] =	ssyncadd.s32 $0xFFFFFE00  }
0x1f: {  	s12 =	simm.s32 $0x40;
	v2 =	vld [tilespmem:s13+$0x2200]  }
.LBB2_4:
0x20: {  	p0 =	sne.s32 s12, $0x7C0;
	v3 =	vld [tilespmem:s13+$0x2000];
	_ =	sdelay $0x4  }
0x21: {  	v2 =	vshll.u32 v2, $0x7;
	v4 =	vand.u32 $0xFFFFFF80, v3  }
0x22: {  	v3 =	vand.u32 $0x7F, v3;
	v2 =	vadd.s32 v4, v2  }
0x23: {  	v2 =	vor.u32 v3, v2;
	_ =	sdelay $0x1  }
.Ltmp1:
0x24: {  	(pc) =	sbr.rel @p0 .LBB2_4-.Ltmp1, $3  }
0x25: {  	_ =	sdelay $0x1  }
0x26: {  	s13 =	sshra.s32 s12, $0x2;
	[tilespmem:v2+s2+$0x0] =	vst.idx.add.f32.msk $0xffff, v1  }
0x27: {  	s12 =	sadd.s32 $0x40, s12;
	v2 =	vld [tilespmem:s13+$0x2200]  }
0x28: {  	v3 =	vld [tilespmem:s13+$0x2000];
	_ =	sdelay $0x4  }
0x29: {  	v2 =	vshll.u32 v2, $0x7;
	v4 =	vand.u32 $0xFFFFFF80, v3  }
0x2a: {  	v3 =	vand.u32 $0x7F, v3;
	v2 =	vadd.s32 v4, v2  }
0x2b: {  	v2 =	vor.u32 v3, v2;
	_ =	sdelay $0x2  }
0x2c: {  	s11 =	sadd.s32 $0x1, s11  }
0x2d: {  	p0 =	sne.s32 s11, s6  }
.Ltmp2:
0x2e: {  	[tilespmem:v2+s2+$0x0] =	vst.idx.add.f32.msk $0xffff, v1;
	(pc) =	sbr.rel @p0 .LBB2_1-.Ltmp2, $4  }
0x2f: {  	[hbm4b:s5+s2] =	stream.linear.scatter [tilespmem:s2], [sflag:$0x2], $0x2000, $0x38;
	[tilespmem:$0x2400] =	vst v63  }
0x30: {  	_ =	swait.ge [sflag:s10], $0x2000  }
0x31: {  	[sflag:s10] =	ssyncset.done $0x0  }
0x32: {  	[sflag:s10] =	ssyncadd.s32 $0xFFFFE000  }
0x33: {  	_ =	sfence.sel $0x180000  }
0x34: {  	[bflag:$0x0] =	sbarrier.arrive $0xFFFF  }
0x35: {  	p0 =	sne.s32 s1, $0x0;
	_ =	strace $0x90000047  }
0x36: {  	s0 =	sadd.s32 @!p0 $0x100000, s0;
	[bflag:$0x2] =	sbarrier.arrive $0xFFFF  }
0x37: {  	[sflag:s0] =	ssyncadd.tile.s32 @!p0 $0x1;
	_ =	shalt  }
.Lfunc_end2:
_tile_overlayer_lowered:
.L_overlay_start_2:
0x38: {  	(tag) =	ssettag $0x2  }
0x39: {  	s0 =	rddreg [dreg:$0x0];
	s2 =	stileid.u32  }
0x3a: {  	s1 =	rddreg [dreg:$0x1];
	p0 =	sne.s32 s2, $0x0  }
0x3b: {  	s3 =	rddreg [dreg:$0x2];
	[bflag:$0x3] =	sbarrier.arrive $0xFFFF;
	s2 =	simm.s32 @!p0 $0x1C02  }
0x3c: {  	[timem:s3], [sflag:s2] =	dma.local @!p0 [hbm:s0], s1  }
0x3d: {  	s0 =	simm.s32 @!p0 $0x2  }
0x3e: {  	_ =	swait.ge @!p0 [sflag:s0], s1  }
0x3f: {  	s1 =	ssub.s32 @!p0 $0x0, s1;
	[sflag:s0] =	ssyncset.done @!p0 $0x0  }
0x40: {  	[sflag:s0] =	ssyncadd.s32 @!p0 s1  }
0x41: {  	[bflag:$0x3] =	sbarrier.arrive $0xFFFF  }
0x42: {  	_ =	shalt  }

</sc_bundles>
